<compile_context>
chip_gen: v7x
topology: tpu7x:2x2x1
jax: 0.10.2.dev20260603
libtpu: 0.0.44.dev20260713+nightly
codegen_flags: <defaults>
</compile_context>

<pallas_src>
import functools

import jax
import jax.numpy as jnp
from jax import lax
from jax.experimental import pallas as pl
from jax.experimental.pallas import tpu as pltpu

_ANCHORS_W = (10.0, 16.0, 33.0)
_ANCHORS_H = (13.0, 30.0, 23.0)
_NA = 3
_NC = 80
_C = _NC + 5


def _yolo_body(stride_ref, x_ref, o_ref, *, g):
    c = pl.program_id(0)
    stride = stride_ref[0, 0]
    blk = x_ref[0]
    n = g * g
    t = jnp.concatenate([blk[0], blk[1], blk[2]], axis=1)
    sig = jax.nn.sigmoid(t)

    q = lax.broadcasted_iota(jnp.int32, t.shape, 1)
    cell = q % n

    @pl.when(c == 0)
    def _():
        gx = (cell % g).astype(jnp.float32)
        o_ref[0] = (sig + gx) * stride

    @pl.when(c == 1)
    def _():
        gy = (cell // g).astype(jnp.float32)
        o_ref[0] = (sig + gy) * stride

    @pl.when(c == 2)
    def _():
        aw = jnp.where(q < n, _ANCHORS_W[0], jnp.where(q < 2 * n, _ANCHORS_W[1], _ANCHORS_W[2]))
        o_ref[0] = jnp.exp(t) * aw

    @pl.when(c == 3)
    def _():
        ah = jnp.where(q < n, _ANCHORS_H[0], jnp.where(q < 2 * n, _ANCHORS_H[1], _ANCHORS_H[2]))
        o_ref[0] = jnp.exp(t) * ah

    @pl.when(c >= 4)
    def _():
        o_ref[0] = sig


def kernel(x, img_dim):
    B = x.shape[0]
    g = x.shape[2]
    n = g * g
    stride = (jnp.asarray(img_dim, jnp.float32) / g).reshape(1, 1)
    xp = jnp.transpose(x.reshape(B, _NA, _C, n), (2, 1, 0, 3))
    op = pl.pallas_call(
        functools.partial(_yolo_body, g=g),
        grid=(_C,),
        in_specs=[
            pl.BlockSpec((1, 1), lambda c: (0, 0)),
            pl.BlockSpec((1, _NA, B, n), lambda c: (c, 0, 0, 0)),
        ],
        out_specs=pl.BlockSpec((1, B, _NA * n), lambda c: (c, 0, 0)),
        out_shape=jax.ShapeDtypeStruct((_C, B, _NA * n), jnp.float32),
        compiler_params=pltpu.CompilerParams(
            dimension_semantics=("arbitrary",),
        ),
    )(stride, xp)
    return jnp.transpose(op, (1, 2, 0))

# --- scband reference (transcript-rebuilt; emitter-appended) ---
"""Pipeline reference for scband-yololayer-86517821215883 (READ-ONLY COPY).

The authoritative reference and input builder live on the scoring server;
editing this copy changes nothing except your own understanding.
"""

import jax, jax.numpy as jnp
import numpy as np

ANCHORS = [(10.0, 13.0), (16.0, 30.0), (33.0, 23.0)]
NUM_ANCHORS = 3
NUM_CLASSES = 80


def setup_inputs(seed: int = 0) -> dict:
    key = jax.random.key(seed)
    x = jax.random.normal(key, (16, NUM_ANCHORS * (NUM_CLASSES + 5), 52, 52), dtype=jnp.float32)
    return {"x": x, "img_dim": 416}


def reference(x, img_dim):
    nA = NUM_ANCHORS
    nC = NUM_CLASSES
    B = x.shape[0]
    g = x.shape[2]
    stride = jnp.asarray(img_dim, dtype=jnp.float32) / g
    # prediction: (B, nA, g, g, nC+5)
    prediction = x.reshape(B, nA, nC + 5, g, g).transpose(0, 1, 3, 4, 2)
    px = jax.nn.sigmoid(prediction[..., 0])
    py = jax.nn.sigmoid(prediction[..., 1])
    pw = prediction[..., 2]
    ph = prediction[..., 3]
    pred_conf = jax.nn.sigmoid(prediction[..., 4])
    pred_cls = jax.nn.sigmoid(prediction[..., 5:])
    # grid offsets
    grid_x = jnp.arange(g, dtype=jnp.float32).reshape(1, 1, 1, g)
    grid_y = jnp.arange(g, dtype=jnp.float32).reshape(1, 1, g, 1)
    scaled_anchors = jnp.asarray(ANCHORS, dtype=jnp.float32) / stride
    anchor_w = scaled_anchors[:, 0].reshape(1, nA, 1, 1)
    anchor_h = scaled_anchors[:, 1].reshape(1, nA, 1, 1)
    bx = px + grid_x
    by = py + grid_y
    bw = jnp.exp(pw) * anchor_w
    bh = jnp.exp(ph) * anchor_h
    pred_boxes = jnp.stack([bx, by, bw, bh], axis=-1)
    output = jnp.concatenate(
        [
            pred_boxes.reshape(B, -1, 4) * stride,
            pred_conf.reshape(B, -1, 1),
            pred_cls.reshape(B, -1, nC),
        ],
        axis=-1,
    )
    return output

if __name__ == "__main__":
    import jax
    _d = setup_inputs()
    print(jax.jit(kernel)(*tuple(_d.values())))

</pallas_src>

<mosaic_0001>
module attributes {stable_mosaic.version = 14 : i64} {
  func.func @_yolo_body(%arg0: i32, %arg1: memref<1x1xf32, #tpu.memory_space<vmem>>, %arg2: memref<1x3x16x2704xf32, #tpu.memory_space<vmem>>, %arg3: memref<1x16x8112xf32, #tpu.memory_space<vmem>>) attributes {dimension_semantics = [#tpu.dimension_semantics<arbitrary>], iteration_bounds = array<i64: 85>, scalar_prefetch = 0 : i64, scratch_operands = 0 : i64, tpu.core_type = #tpu.core_type<tc>, window_params = [{pipeline_mode = #tpu.pipeline_mode<synchronous>, transform_indices = @transform_0, window_bounds = array<i64: 1, 1>}, {transform_indices = @transform_1, window_bounds = array<i64: 1, 3, 16, 2704>}, {transform_indices = @transform_2, window_bounds = array<i64: 1, 16, 8112>}]} {
    %get3A = arith.constant 0 : index
    %get3A_0 = arith.constant 0 : index
    %get3A_1 = vector.load %arg1[%get3A, %get3A_0] : memref<1x1xf32, #tpu.memory_space<vmem>>, vector<1x1xf32>
    %get3A_2 = vector.extract %get3A_1[0, 0] : f32 from vector<1x1xf32>
    %get3A_3 = arith.constant 0 : index
    %get3A_4 = arith.constant 0 : index
    %get3A_5 = arith.constant 0 : index
    %get3A_6 = arith.constant 0 : index
    %get3A_7 = vector.load %arg2[%get3A_3, %get3A_4, %get3A_5, %get3A_6] : memref<1x3x16x2704xf32, #tpu.memory_space<vmem>>, vector<1x3x16x2704xf32>
    %get3A_8 = vector.shape_cast %get3A_7 : vector<1x3x16x2704xf32> to vector<3x16x2704xf32>
    %slice3A = vector.extract_strided_slice %get3A_8 {offsets = [0, 0, 0], sizes = [1, 16, 2704], strides = [1, 1, 1]} : vector<3x16x2704xf32> to vector<1x16x2704xf32>
    %squeeze3A = vector.shape_cast %slice3A : vector<1x16x2704xf32> to vector<16x2704xf32>
    %slice3A_9 = vector.extract_strided_slice %get3A_8 {offsets = [1, 0, 0], sizes = [1, 16, 2704], strides = [1, 1, 1]} : vector<3x16x2704xf32> to vector<1x16x2704xf32>
    %squeeze3A_10 = vector.shape_cast %slice3A_9 : vector<1x16x2704xf32> to vector<16x2704xf32>
    %slice3A_11 = vector.extract_strided_slice %get3A_8 {offsets = [2, 0, 0], sizes = [1, 16, 2704], strides = [1, 1, 1]} : vector<3x16x2704xf32> to vector<1x16x2704xf32>
    %squeeze3A_12 = vector.shape_cast %slice3A_11 : vector<1x16x2704xf32> to vector<16x2704xf32>
    %concatenate3A = tpu.concatenate %squeeze3A, %squeeze3A_10, %squeeze3A_12 in 1 : vector<16x2704xf32>, vector<16x2704xf32>, vector<16x2704xf32> -> vector<16x8112xf32>
    %logistic3A = arith.negf %concatenate3A : vector<16x8112xf32>
    %logistic3A_13 = math.exp %logistic3A : vector<16x8112xf32>
    %logistic3A_14 = arith.constant 1.000000e+00 : f32
    %logistic3A_15 = vector.broadcast %logistic3A_14 : f32 to vector<16x8112xf32>
    %logistic3A_16 = arith.addf %logistic3A_15, %logistic3A_13 : vector<16x8112xf32>
    %logistic3A_17 = arith.divf %logistic3A_15, %logistic3A_16 : vector<16x8112xf32>
    %iota3A = tpu.iota {dimensions = array<i32: 1>} : vector<16x8112xi32>
    %jit3A = arith.constant 2704 : i32
    %eq3A = arith.constant 0 : i32
    %eq3A_18 = arith.cmpi eq, %jit3A, %eq3A : i32
    %jit3A_19 = arith.constant 1 : i32
    %select_n3A = arith.select %eq3A_18, %jit3A_19, %jit3A : i32
    %rem3A = vector.broadcast %select_n3A : i32 to vector<16x8112xi32>
    %rem3A_20 = arith.remsi %iota3A, %rem3A : vector<16x8112xi32>
    %ne3A = arith.constant 0 : i32
    %ne3A_21 = vector.broadcast %ne3A : i32 to vector<16x8112xi32>
    %ne3A_22 = arith.cmpi ne, %rem3A_20, %ne3A_21 : vector<16x8112xi32>
    %lt3A = arith.constant 0 : i32
    %lt3A_23 = vector.broadcast %lt3A : i32 to vector<16x8112xi32>
    %lt3A_24 = arith.cmpi slt, %rem3A_20, %lt3A_23 : vector<16x8112xi32>
    %lt3A_25 = arith.constant 0 : i32
    %lt3A_26 = arith.cmpi slt, %select_n3A, %lt3A_25 : i32
    %ne3A_27 = vector.broadcast %lt3A_26 : i1 to vector<16x8112xi1>
    %ne3A_28 = vector.broadcast %ne3A_27 : vector<16x8112xi1> to vector<16x8112xi1>
    %ne3A_29 = arith.xori %lt3A_24, %ne3A_28 : vector<16x8112xi1>
    %and3A = arith.andi %ne3A_29, %ne3A_22 : vector<16x8112xi1>
    %add3A = vector.broadcast %select_n3A : i32 to vector<16x8112xi32>
    %add3A_30 = arith.addi %rem3A_20, %add3A : vector<16x8112xi32>
    %select_n3A_31 = arith.select %and3A, %add3A_30, %rem3A_20 : vector<16x8112xi1>, vector<16x8112xi32>
    %eq3A_32 = arith.constant 0 : i32
    %eq3A_33 = arith.cmpi eq, %arg0, %eq3A_32 : i32
    %convert_element_type3A = arith.extui %eq3A_33 : i1 to i32
    %cond3A = arith.constant 0 : i32
    %cond3A_34 = arith.cmpi ne, %convert_element_type3A, %cond3A : i32
    scf.if %cond3A_34 {
      %jit3A_54 = arith.constant 52 : i32
      %eq3A_55 = arith.constant 0 : i32
      %eq3A_56 = arith.cmpi eq, %jit3A_54, %eq3A_55 : i32
      %jit3A_57 = arith.constant 1 : i32
      %select_n3A_58 = arith.select %eq3A_56, %jit3A_57, %jit3A_54 : i32
      %rem3A_59 = vector.broadcast %select_n3A_58 : i32 to vector<16x8112xi32>
      %rem3A_60 = arith.remsi %select_n3A_31, %rem3A_59 : vector<16x8112xi32>
      %ne3A_61 = arith.constant 0 : i32
      %ne3A_62 = vector.broadcast %ne3A_61 : i32 to vector<16x8112xi32>
      %ne3A_63 = arith.cmpi ne, %rem3A_60, %ne3A_62 : vector<16x8112xi32>
      %lt3A_64 = arith.constant 0 : i32
      %lt3A_65 = vector.broadcast %lt3A_64 : i32 to vector<16x8112xi32>
      %lt3A_66 = arith.cmpi slt, %rem3A_60, %lt3A_65 : vector<16x8112xi32>
      %lt3A_67 = arith.constant 0 : i32
      %lt3A_68 = arith.cmpi slt, %select_n3A_58, %lt3A_67 : i32
      %ne3A_69 = vector.broadcast %lt3A_68 : i1 to vector<16x8112xi1>
      %ne3A_70 = vector.broadcast %ne3A_69 : vector<16x8112xi1> to vector<16x8112xi1>
      %ne3A_71 = arith.xori %lt3A_66, %ne3A_70 : vector<16x8112xi1>
      %and3A_72 = arith.andi %ne3A_71, %ne3A_63 : vector<16x8112xi1>
      %add3A_73 = vector.broadcast %select_n3A_58 : i32 to vector<16x8112xi32>
      %add3A_74 = arith.addi %rem3A_60, %add3A_73 : vector<16x8112xi32>
      %select_n3A_75 = arith.select %and3A_72, %add3A_74, %rem3A_60 : vector<16x8112xi1>, vector<16x8112xi32>
      %convert_element_type3A_76 = arith.sitofp %select_n3A_75 : vector<16x8112xi32> to vector<16x8112xf32>
      %add3A_77 = arith.addf %logistic3A_17, %convert_element_type3A_76 : vector<16x8112xf32>
      %mul3A = vector.broadcast %get3A_2 : f32 to vector<16x8112xf32>
      %mul3A_78 = arith.mulf %add3A_77, %mul3A : vector<16x8112xf32>
      %swap3A = arith.constant 0 : index
      %swap3A_79 = arith.constant 0 : index
      %swap3A_80 = arith.constant 0 : index
      %swap3A_81 = vector.load %arg3[%swap3A, %swap3A_79, %swap3A_80] : memref<1x16x8112xf32, #tpu.memory_space<vmem>>, vector<1x16x8112xf32>
      %swap3A_82 = vector.shape_cast %swap3A_81 : vector<1x16x8112xf32> to vector<16x8112xf32>
      %swap3A_83 = vector.shape_cast %mul3A_78 : vector<16x8112xf32> to vector<1x16x8112xf32>
      tpu.vector_store %arg3[%swap3A, %swap3A_79, %swap3A_80], %swap3A_83 {strides = array<i32>} : memref<1x16x8112xf32, #tpu.memory_space<vmem>>, vector<1x16x8112xf32>,
    } else {
    }
    %eq3A_35 = arith.constant 1 : i32
    %eq3A_36 = arith.cmpi eq, %arg0, %eq3A_35 : i32
    %convert_element_type3A_37 = arith.extui %eq3A_36 : i1 to i32
    %cond3A_38 = arith.constant 0 : i32
    %cond3A_39 = arith.cmpi ne, %convert_element_type3A_37, %cond3A_38 : i32
    scf.if %cond3A_39 {
      %jit3A_54 = arith.constant 52 : i32
      %div3A = vector.broadcast %jit3A_54 : i32 to vector<16x8112xi32>
      %div3A_55 = arith.divsi %select_n3A_31, %div3A : vector<16x8112xi32>
      %sign3A = arith.constant 0 : i32
      %sign3A_56 = vector.broadcast %sign3A : i32 to vector<16x8112xi32>
      %sign3A_57 = arith.cmpi sgt, %select_n3A_31, %sign3A_56 : vector<16x8112xi32>
      %sign3A_58 = arith.extui %sign3A_57 : vector<16x8112xi1> to vector<16x8112xi32>
      %sign3A_59 = arith.constant 0 : i32
      %sign3A_60 = vector.broadcast %sign3A_59 : i32 to vector<16x8112xi32>
      %sign3A_61 = arith.cmpi slt, %select_n3A_31, %sign3A_60 : vector<16x8112xi32>
      %sign3A_62 = arith.extui %sign3A_61 : vector<16x8112xi1> to vector<16x8112xi32>
      %sign3A_63 = arith.subi %sign3A_58, %sign3A_62 : vector<16x8112xi32>
      %sign3A_64 = arith.constant 0 : i32
      %sign3A_65 = arith.cmpi sgt, %jit3A_54, %sign3A_64 : i32
      %sign3A_66 = arith.extui %sign3A_65 : i1 to i32
      %sign3A_67 = arith.constant 0 : i32
      %sign3A_68 = arith.cmpi slt, %jit3A_54, %sign3A_67 : i32
      %sign3A_69 = arith.extui %sign3A_68 : i1 to i32
      %sign3A_70 = arith.subi %sign3A_66, %sign3A_69 : i32
      %ne3A_71 = vector.broadcast %sign3A_70 : i32 to vector<16x8112xi32>
      %ne3A_72 = arith.cmpi ne, %sign3A_63, %ne3A_71 : vector<16x8112xi32>
      %rem3A_73 = vector.broadcast %jit3A_54 : i32 to vector<16x8112xi32>
      %rem3A_74 = arith.remsi %select_n3A_31, %rem3A_73 : vector<16x8112xi32>
      %ne3A_75 = arith.constant 0 : i32
      %ne3A_76 = vector.broadcast %ne3A_75 : i32 to vector<16x8112xi32>
      %ne3A_77 = arith.cmpi ne, %rem3A_74, %ne3A_76 : vector<16x8112xi32>
      %and3A_78 = arith.andi %ne3A_72, %ne3A_77 : vector<16x8112xi1>
      %sub3A = arith.constant 1 : i32
      %sub3A_79 = vector.broadcast %sub3A : i32 to vector<16x8112xi32>
      %sub3A_80 = arith.subi %div3A_55, %sub3A_79 : vector<16x8112xi32>
      %select_n3A_81 = arith.select %and3A_78, %sub3A_80, %div3A_55 : vector<16x8112xi1>, vector<16x8112xi32>
      %convert_element_type3A_82 = arith.sitofp %select_n3A_81 : vector<16x8112xi32> to vector<16x8112xf32>
      %add3A_83 = arith.addf %logistic3A_17, %convert_element_type3A_82 : vector<16x8112xf32>
      %mul3A = vector.broadcast %get3A_2 : f32 to vector<16x8112xf32>
      %mul3A_84 = arith.mulf %add3A_83, %mul3A : vector<16x8112xf32>
      %swap3A = arith.constant 0 : index
      %swap3A_85 = arith.constant 0 : index
      %swap3A_86 = arith.constant 0 : index
      %swap3A_87 = vector.load %arg3[%swap3A, %swap3A_85, %swap3A_86] : memref<1x16x8112xf32, #tpu.memory_space<vmem>>, vector<1x16x8112xf32>
      %swap3A_88 = vector.shape_cast %swap3A_87 : vector<1x16x8112xf32> to vector<16x8112xf32>
      %swap3A_89 = vector.shape_cast %mul3A_84 : vector<16x8112xf32> to vector<1x16x8112xf32>
      tpu.vector_store %arg3[%swap3A, %swap3A_85, %swap3A_86], %swap3A_89 {strides = array<i32>} : memref<1x16x8112xf32, #tpu.memory_space<vmem>>, vector<1x16x8112xf32>,
    } else {
    }
    %eq3A_40 = arith.constant 2 : i32
    %eq3A_41 = arith.cmpi eq, %arg0, %eq3A_40 : i32
    %convert_element_type3A_42 = arith.extui %eq3A_41 : i1 to i32
    %cond3A_43 = arith.constant 0 : i32
    %cond3A_44 = arith.cmpi ne, %convert_element_type3A_42, %cond3A_43 : i32
    scf.if %cond3A_44 {
      %lt3A_54 = arith.constant 2704 : i32
      %lt3A_55 = vector.broadcast %lt3A_54 : i32 to vector<16x8112xi32>
      %lt3A_56 = arith.cmpi slt, %iota3A, %lt3A_55 : vector<16x8112xi32>
      %lt3A_57 = arith.constant 5408 : i32
      %lt3A_58 = vector.broadcast %lt3A_57 : i32 to vector<16x8112xi32>
      %lt3A_59 = arith.cmpi slt, %iota3A, %lt3A_58 : vector<16x8112xi32>
      %jit3A_60 = arith.constant 1.600000e+01 : f32
      %jit3A_61 = arith.constant 3.300000e+01 : f32
      %broadcast_in_dim3A = vector.broadcast %jit3A_60 : f32 to vector<16x8112xf32>
      %broadcast_in_dim3A_62 = vector.broadcast %jit3A_61 : f32 to vector<16x8112xf32>
      %select_n3A_63 = arith.select %lt3A_59, %broadcast_in_dim3A, %broadcast_in_dim3A_62 : vector<16x8112xi1>, vector<16x8112xf32>
      %jit3A_64 = arith.constant 1.000000e+01 : f32
      %broadcast_in_dim3A_65 = vector.broadcast %jit3A_64 : f32 to vector<16x8112xf32>
      %select_n3A_66 = arith.select %lt3A_56, %broadcast_in_dim3A_65, %select_n3A_63 : vector<16x8112xi1>, vector<16x8112xf32>
      %exp3A = math.exp %concatenate3A : vector<16x8112xf32>
      %mul3A = arith.mulf %exp3A, %select_n3A_66 : vector<16x8112xf32>
      %swap3A = arith.constant 0 : index
      %swap3A_67 = arith.constant 0 : index
      %swap3A_68 = arith.constant 0 : index
      %swap3A_69 = vector.load %arg3[%swap3A, %swap3A_67, %swap3A_68] : memref<1x16x8112xf32, #tpu.memory_space<vmem>>, vector<1x16x8112xf32>
      %swap3A_70 = vector.shape_cast %swap3A_69 : vector<1x16x8112xf32> to vector<16x8112xf32>
      %swap3A_71 = vector.shape_cast %mul3A : vector<16x8112xf32> to vector<1x16x8112xf32>
      tpu.vector_store %arg3[%swap3A, %swap3A_67, %swap3A_68], %swap3A_71 {strides = array<i32>} : memref<1x16x8112xf32, #tpu.memory_space<vmem>>, vector<1x16x8112xf32>,
    } else {
    }
    %eq3A_45 = arith.constant 3 : i32
    %eq3A_46 = arith.cmpi eq, %arg0, %eq3A_45 : i32
    %convert_element_type3A_47 = arith.extui %eq3A_46 : i1 to i32
    %cond3A_48 = arith.constant 0 : i32
    %cond3A_49 = arith.cmpi ne, %convert_element_type3A_47, %cond3A_48 : i32
    scf.if %cond3A_49 {
      %lt3A_54 = arith.constant 2704 : i32
      %lt3A_55 = vector.broadcast %lt3A_54 : i32 to vector<16x8112xi32>
      %lt3A_56 = arith.cmpi slt, %iota3A, %lt3A_55 : vector<16x8112xi32>
      %lt3A_57 = arith.constant 5408 : i32
      %lt3A_58 = vector.broadcast %lt3A_57 : i32 to vector<16x8112xi32>
      %lt3A_59 = arith.cmpi slt, %iota3A, %lt3A_58 : vector<16x8112xi32>
      %jit3A_60 = arith.constant 3.000000e+01 : f32
      %jit3A_61 = arith.constant 2.300000e+01 : f32
      %broadcast_in_dim3A = vector.broadcast %jit3A_60 : f32 to vector<16x8112xf32>
      %broadcast_in_dim3A_62 = vector.broadcast %jit3A_61 : f32 to vector<16x8112xf32>
      %select_n3A_63 = arith.select %lt3A_59, %broadcast_in_dim3A, %broadcast_in_dim3A_62 : vector<16x8112xi1>, vector<16x8112xf32>
      %jit3A_64 = arith.constant 1.300000e+01 : f32
      %broadcast_in_dim3A_65 = vector.broadcast %jit3A_64 : f32 to vector<16x8112xf32>
      %select_n3A_66 = arith.select %lt3A_56, %broadcast_in_dim3A_65, %select_n3A_63 : vector<16x8112xi1>, vector<16x8112xf32>
      %exp3A = math.exp %concatenate3A : vector<16x8112xf32>
      %mul3A = arith.mulf %exp3A, %select_n3A_66 : vector<16x8112xf32>
      %swap3A = arith.constant 0 : index
      %swap3A_67 = arith.constant 0 : index
      %swap3A_68 = arith.constant 0 : index
      %swap3A_69 = vector.load %arg3[%swap3A, %swap3A_67, %swap3A_68] : memref<1x16x8112xf32, #tpu.memory_space<vmem>>, vector<1x16x8112xf32>
      %swap3A_70 = vector.shape_cast %swap3A_69 : vector<1x16x8112xf32> to vector<16x8112xf32>
      %swap3A_71 = vector.shape_cast %mul3A : vector<16x8112xf32> to vector<1x16x8112xf32>
      tpu.vector_store %arg3[%swap3A, %swap3A_67, %swap3A_68], %swap3A_71 {strides = array<i32>} : memref<1x16x8112xf32, #tpu.memory_space<vmem>>, vector<1x16x8112xf32>,
    } else {
    }
    %ge3A = arith.constant 4 : i32
    %ge3A_50 = arith.cmpi sge, %arg0, %ge3A : i32
    %convert_element_type3A_51 = arith.extui %ge3A_50 : i1 to i32
    %cond3A_52 = arith.constant 0 : i32
    %cond3A_53 = arith.cmpi ne, %convert_element_type3A_51, %cond3A_52 : i32
    scf.if %cond3A_53 {
      %swap3A = arith.constant 0 : index
      %swap3A_54 = arith.constant 0 : index
      %swap3A_55 = arith.constant 0 : index
      %swap3A_56 = vector.load %arg3[%swap3A, %swap3A_54, %swap3A_55] : memref<1x16x8112xf32, #tpu.memory_space<vmem>>, vector<1x16x8112xf32>
      %swap3A_57 = vector.shape_cast %swap3A_56 : vector<1x16x8112xf32> to vector<16x8112xf32>
      %swap3A_58 = vector.shape_cast %logistic3A_17 : vector<16x8112xf32> to vector<1x16x8112xf32>
      tpu.vector_store %arg3[%swap3A, %swap3A_54, %swap3A_55], %swap3A_58 {strides = array<i32>} : memref<1x16x8112xf32, #tpu.memory_space<vmem>>, vector<1x16x8112xf32>,
    } else {
    }
    return
  }
  func.func @transform_0(%arg0: i32) -> (i32, i32) {
    %c0_i32 = arith.constant 0 : i32
    %c0_i32_0 = arith.constant 0 : i32
    %c0_i32_1 = arith.constant 0 : i32
    return %c0_i32, %c0_i32_0 : i32, i32
  }
  func.func @transform_1(%arg0: i32) -> (i32, i32, i32, i32) {
    %c0_i32 = arith.constant 0 : i32
    %c0_i32_0 = arith.constant 0 : i32
    %c0_i32_1 = arith.constant 0 : i32
    %c0_i32_2 = arith.constant 0 : i32
    return %arg0, %c0_i32, %c0_i32_0, %c0_i32_1 : i32, i32, i32, i32
  }
  func.func @transform_2(%arg0: i32) -> (i32, i32, i32) {
    %c0_i32 = arith.constant 0 : i32
    %c0_i32_0 = arith.constant 0 : i32
    %c0_i32_1 = arith.constant 0 : i32
    return %arg0, %c0_i32, %c0_i32_0 : i32, i32, i32
  }
}

</mosaic_0001>

<sc_bundles>
// kernel: sparse-core-data-format-call.cloned.1.call-start
scs
called_computation_lowered:
.L_overlay_start_0:
0x0: {  	s1 =	sld [smem:$0x3FD9]  }
0x1: {  	s2 =	sld [smem:$0x3FFE];
	_ =	sdelay $0x1  }
0x2: {  	s3 =	srdreg.scid  }
0x3: {  	s0 =	sand.u32 $0x1, s3  }
0x4: {  	s17 =	sshll.u32 s0, $0xA;
	s1 =	sadd.s32 s2, s1  }
0x5: {  	s1 =	sadd.s32 s1, s17  }
0x6: {  	[smem:$0x3FC6] =	sst s1  }
0x7: {  	_ = 	snop  }
0x8: {  	(tm) =	ssettm $0x1  }
0x9: {  	s18 =	sld [smem:$0x3FFB];
	_ =	sdelay $0x3  }
0xa: {  	_ =	strace s18  }
0xb: {  	s1 =	sld [smem:$0x3FFC];
	_ =	sdelay $0x3  }
0xc: {  	_ =	strace s1  }
0xd: {  	s1 =	sld [smem:$0x3FFD];
	_ =	sdelay $0x3  }
0xe: {  	_ =	strace s1  }
0xf: {  	_ =	strace $0x8FFFFFFF  }
0x10: {  	s19 =	sld [smem:$0x3FDB];
	_ =	sdelay $0x1  }
0x11: {  	s20 =	simm.s32 $_scs_section_size  }
0x12: {  	s4 =	simm.s32 $_size__tile_overlayer_lowered;
	s5 =	simm.s32 $_tile_overlayer_lowered  }
0x13: {  	s23 =	simm.s32 $0x1BFF;
	s22 =	sshll.u32 s5, $0x1;
	s1 =	sadd.s32 s20, s19  }
0x14: {  	s6 =	simm.s32 $0x0;
	s21 =	sshll.u32 s4, $0x1;
	s4 =	sadd.s32 s22, s1  }
0x15: {  	[timem:s6], [sflag:s23] =	dma.local [hbm:s4], s21  }
0x16: {  	_ =	swait.ge [sflag:s23], s21  }
0x17: {  	s2 =	ssub.s32 $0x0, s21;
	[sflag:s23] =	ssyncset.done $0x0  }
0x18: {  	[sflag:s23] =	ssyncadd.s32 s2;
	_ =	sdelay $0x1  }
0x19: {  	s24 =	simm.s32 $0x1B8B  }
0x1a: {  	_ =	swait.ge [sflag:s24], $0x1  }
0x1b: {  	[sflag:s24] =	ssyncset.done $0x0  }
0x1c: {  	s26 =	simm.s32 $0x1B8E;
	s25 =	sld [smem:$0x3FFE];
	[sflag:s24] =	ssyncadd.s32 $0xFFFFFFFF  }
0x1d: {  	s27 =	simm.s32 $execute0_lowered;
	[smem:$0x3FD2] =	sst s26  }
0x1e: {  	s4 =	sshll.u32 s27, $0x1;
	_ =	strace $0x80000046;
	[dreg:$0x1] =	wrdreg $0xFFFFFFFF  }
0x1f: {  	s28 =	simm.s32 $_size_execute0_lowered;
	s1 =	sadd.s32 s1, s4;
	[dreg:$0x0] =	wrdreg $0x0  }
0x20: {  	s4 =	sshll.u32 s28, $0x1;
	[dreg:$0x2] =	wrdreg s1  }
0x21: {  	[dreg:$0x3] =	wrdreg s4  }
0x22: {  	[dreg:$0x4] =	wrdreg $0xC0  }
0x23: {  	_ =	task [dreg:s6], $0x5FFFF  }
0x24: {  	[dreg:$0x1] =	wrdreg $0xFFFFFFFF  }
0x25: {  	[dreg:$0x0] =	wrdreg $0x60  }
0x26: {  	[dreg:$0x2] =	wrdreg s25  }
0x27: {  	[dreg:$0x3] =	wrdreg $0x9  }
0x28: {  	_ =	task.clear_ibuf [dreg:s6], $0x4FFFF;
	_ =	strace $0x90000046  }
0x29: {  	s29 =	simm.s32 $0x9;
	_ =	strace $0x80000048  }
0x2a: {  	_ =	swait.ge [sflag:s29], $0x1  }
0x2b: {  	[sflag:s29] =	ssyncadd.s32 $0xFFFFFFFF  }
0x2c: {  	_ =	strace $0x90000048  }
0x2d: {  	_ =	sfence  }
0x2e: {  	s30 =	sld [smem:$0x0];
	_ =	sdelay $0x2  }
0x2f: {  	s31 =	sshll.u32 s3, $0xD;
	s3 =	sshrl.u32 s3, $0x2  }
0x30: {  	s2 =	sand.u32 $0x4000, s31;
	s1 =	sadd.s32 s3, s30  }
0x31: {  	s0 =	sor.u32 s2, s0;
	s1 =	sshll.u32 s1, $0x11  }
0x32: {  	s0 =	sor.u32 s1, s0  }
0x33: {  	s0 =	sadd.s32 $0x8F2B, s0  }
0x34: {  	[sflag:s0] =	ssyncadd.remote.s32 $0x1  }
0x35: {  	_ =	sfence.sel $0xFFFF  }
0x36: {  	[dreg:$0x0] =	wrdreg $0xFFFFFFFF;
	(pc) =	sbr.abs _section_cstart, $3  }
0x37: {  	[dreg:$0x1] =	wrdreg $0xFFFFFFFF  }
0x38: {  	_ =	task.clear_ibuf [dreg:s6], $0x2FFFF;
	_ =	strace $0x9FFFFFFF  }
0x39: {  	(tm) =	ssettm $0x7FFFFFFF  }
tec
execute0_lowered:
.L_overlay_start_1:
0x0: {  	(tag) =	ssettag $0x1  }
0x1: {  	s0 =	rddreg [dreg:$0x0]  }
0x2: {  	s1 =	srdreg.scid;
	_ =	strace $0x80000047;
	s3 =	simm.s32 $0x1  }
0x3: {  	s31 =	simm.s32 $0x2;
	s8 =	stileid.u32;
	s18 =	simm.s32 $0x0  }
0x4: {  	p0 =	por $0x0, $0x0;
	s17 =	simm.s32 $0x0;
	s16 =	simm.s32 $0x0  }
0x5: {  	s9 =	simm.s32 $0x0;
	s10 =	simm.s32 $0x0;
	s11 =	simm.s32 $0x0  }
.Ltmp0:
0x6: {  	s13 =	stileid.u32;
	s19 =	sand.u32 $0x1, s1;
	(pc) =	sbr.rel .LBB1_1-.Ltmp0, $4  }
0x7: {  	s14 =	simm.s32 $0x0;
	s7 =	sadd.s32 $0x400, s0;
	s1 =	ssub.s32 $0x2, s19  }
0x8: {  	[sflag:s3] =	ssyncpa.u1 $0x0;
	s0 =	sadd.s32 $0x2A4400, s0;
	s5 =	smul.u32 $0x16, s1  }
0x9: {  	s15 =	simm.s32 $0x0;
	[dreg:$0x2] =	wrdreg s0;
	[sflag:s31] =	ssyncpa.u1 $0x0  }
0xa: {  	s12 =	smov.u32 s19;
	[dreg:$0x3] =	wrdreg s19;
	s2 =	sor.u32 $0x1, s5  }
.LBB1_13:
0xb: {  	s0 =	sshrl.u32 s10, $0x3  }
0xc: {  	s1 =	sshll.u32 s11, $0x3;
	s3 =	sshll.u32 s10, $0x7;
	s4 =	smul.u32 $0x4080, s25  }
0xd: {  	s23 =	sand.u32 $0x7F, s11;
	p1 =	sgt.s32 s11, $0xA80;
	s0 =	smul.u32 $0x5800, s0  }
0xe: {  	s6 =	smov.u32 s9;
	s26 =	smul.u32 $0x1600, s9;
	s1 =	sand.u32 $0xFFFFFC00, s1  }
0xf: {  	s27 =	rddreg [dreg:$0x2];
	s22 =	sand.u32 $0x380, s3;
	s0 =	sadd.s32 s1, s0  }
0x10: {  	s31 =	simm.s32 $0x21000;
	s1 =	smov.u32 s11;
	s0 =	sor.u32 s22, s0  }
0x11: {  	s1 =	simm.s32 @!p1 $0xA80;
	p1 =	sgt.s32 s9, $0x2;
	s3 =	sor.u32 s23, s0  }
0x12: {  	s1 =	sadd.s32 s19, s1;
	s6 =	simm.s32 @!p1 $0x2;
	s0 =	smulhi.u32 $0xBA2E8BA3, s0  }
0x13: {  	s8 =	smulhi.u32 $0xBA2E8BA3, s3;
	s6 =	sadd.s32 s21, s6;
	s19 =	sadd.s32 $0xFFFFF580, s1  }
0x14: {  	s1 =	ssub.s32 $0xB00, s1;
	p1 =	sgt.s32 s19, $0x7F;
	s24 =	ssub.s32 $0x3, s6  }
0x15: {  	s6 =	sadd.s32 $0xFFFFFFFE, s6;
	s19 =	smul.u32 $0x55, s24;
	s1 =	simm.s32 @p1 $0x0  }
0x16: {  	s0 =	sshrl.u32 s0, $0xB;
	s25 =	sshrl.u32 s8, $0xB;
	s1 =	smul.u32 s1, s20  }
0x17: {  	p1 =	sgt.s32 s6, $0x0;
	s0 =	sand.u32 $0xF, s0;
	s6 =	smul.u32 $0xB00, s25  }
0x18: {  	s4 =	sor.u32 $0x8000, s4;
	s0 =	smul.u32 $0x160, s0;
	s19 =	simm.s32 @p1 $0x0  }
0x19: {  	s8 =	stileid.u32;
	s1 =	smul.u32 s19, s1;
	s3 =	ssub.s32 s3, s6  }
0x1a: {  	s6 =	sadd.s32 s27, s26;
	s19 =	rddreg [dreg:$0x3];
	s28 =	sand.u32 $0x7, s3  }
0x1b: {  	s3 =	sshrl.u32 s3, $0x3;
	s0 =	sadd.s32 s0, s6;
	s29 =	sshll.u32 s28, $0x12  }
0x1c: {  	s1 =	sand.u32 $0x3FFFFFFF, s1;
	s0 =	sadd.s32 s3, s0;
	s30 =	sor.u32 $0x80, s29  }
0x1d: {  	[hbm4b:s0+s30] =	stream.strided.scatter [tilespmem:s4], [sflag:$0x2], s1, s31, s30, $0x20;
	[tilespmem:$0x10100] =	vst v63  }
.LBB1_14:
0x1e: {  	p1 =	slt.u32 s15, $0x2  }
0x1f: {  	s0 =	smov.u32 s18;
	s4 =	smov.u32 s16;
	p2 =	sgt.s32 @!p1 s18, $0x2  }
0x20: {  	s1 =	sshra.s32 @!p1 s18, $0x1F;
	s3 =	sshra.s32 @!p1 s17, $0x1F;
	p2 =	por !p2, p1  }
0x21: {  	s1 =	sand.u32 @!p1 s1, s18;
	s0 =	simm.s32 @p2 $0x2;
	p2 =	sgt.s32 @!p1 s17, $0xF  }
0x22: {  	s0 =	ssub.s32 @!p1 s0, s1;
	p2 =	por !p2, p1;
	s1 =	smov.u32 s17  }
0x23: {  	s3 =	sand.u32 @!p1 s3, s17;
	s1 =	simm.s32 @p2 $0xF;
	p2 =	sgt.s32 @!p1 s16, $0xA80  }
0x24: {  	s6 =	sshra.s32 @!p1 s16, $0x1F;
	p2 =	por !p2, p1;
	s1 =	ssub.s32 @!p1 s1, s3  }
0x25: {  	s3 =	sand.u32 @!p1 s6, s16;
	s6 =	sadd.s32 @!p1 $0xFFFFFFFE, s0;
	s4 =	simm.s32 @p2 $0xA80  }
0x26: {  	s0 =	ssub.s32 @!p1 $0x3, s0;
	s3 =	ssub.s32 @!p1 s4, s3;
	s4 =	sadd.s32 @!p1 $0xFFFFFFF1, s1  }
0x27: {  	s0 =	smul.u32 @!p1 $0x55, s0;
	p2 =	sgt.s32 @!p1 s4, $0x0;
	s4 =	sadd.s32 @!p1 $0xFFFFF580, s3  }
0x28: {  	s1 =	ssub.s32 @!p1 $0x10, s1;
	p2 =	por !p2, p1;
	p3 =	sgt.s32 @!p1 s4, $0x7F  }
0x29: {  	s3 =	ssub.s32 @!p1 $0xB00, s3;
	s1 =	simm.s32 @!p2 $0x0;
	p2 =	por !p3, p1  }
0x2a: {  	s4 =	sadd.s32 $0x10, s13;
	p3 =	sgt.s32 @!p1 s6, $0x0;
	s3 =	simm.s32 @!p2 $0x0  }
0x2b: {  	p2 =	por !p3, p1;
	s1 =	smul.u32 @!p1 s3, s1;
	s3 =	sadd.s32 $0x2, s12  }
0x2c: {  	s6 =	smov.u32 s13;
	s0 =	simm.s32 @!p2 $0x0;
	p2 =	sgt.s32 s3, $0x2  }
0x2d: {  	s0 =	smul.u32 @!p1 s0, s1;
	s6 =	smov.u32 @p2 s4  }
0x2e: {  	s1 =	sadd.s32 $0x80, s14;
	s4 =	smov.u32 s14;
	p3 =	sgt.s32 s6, $0xF  }
0x2f: {  	p0 =	por !p0, !p0;
	s18 =	smov.u32 s9;
	s4 =	smov.u32 @p3 s1  }
0x30: {  	s9 =	smov.u32 s12;
	s3 =	smov.u32 @p2 s19;
	p2 =	sgt.s32 s4, $0xA8F  }
0x31: {  	s17 =	smov.u32 s10;
	s4 =	simm.s32 @p2 $0x0;
	p2 =	sne.s32 s15, s2  }
.Ltmp1:
0x32: {  	s10 =	smov.u32 s13;
	s16 =	smov.u32 s11;
	(pc) =	sbr.rel @!p2 .LBB1_15-.Ltmp1, $4  }
0x33: {  	s11 =	smov.u32 s14;
	s0 =	sand.u32 @!p1 $0x3FFFFFFF, s0;
	s1 =	simm.s32 @!p1 $0x2  }
0x34: {  	s12 =	smov.u32 s3;
	s6 =	smov.u32 @p3 s8;
	_ =	swait.ge @!p1 [sflag:s1], s0  }
0x35: {  	s0 =	ssub.s32 @!p1 $0x0, s0;
	s13 =	smov.u32 s6;
	[sflag:s1] =	ssyncset.done @!p1 $0x0  }
0x36: {  	s15 =	sadd.s32 $0x1, s15;
	[sflag:s1] =	ssyncadd.s32 @!p1 s0;
	s14 =	smov.u32 s4  }
.LBB1_1:
0x37: {  	p1 =	sge.u32 s15, s5;
	s0 =	smov.u32 s14;
	s4 =	smov.u32 s13  }
0x38: {  	s31 =	sadd.s32 $0xFFFFFFFF, s15;
	p2 =	sgt.s32 @!p1 s14, $0xA10;
	s1 =	sxor.u32 @!p1 $0xFFFFFFFF, s15  }
0x39: {  	s3 =	sshra.s32 @!p1 s14, $0x1F;
	s6 =	sshra.s32 @!p1 s13, $0x1F;
	p2 =	por !p2, p1  }
0x3a: {  	s3 =	sand.u32 @!p1 s3, s14;
	s0 =	simm.s32 @p2 $0xA10;
	p2 =	sgt.s32 @!p1 s13, $0xF  }
0x3b: {  	s6 =	sand.u32 @!p1 s6, s13;
	s1 =	sshll.u32 @!p1 s1, $0xE;
	p2 =	por !p2, p1  }
0x3c: {  	s1 =	sand.u32 @!p1 $0x4000, s1;
	s0 =	ssub.s32 @!p1 s0, s3;
	s4 =	simm.s32 @p2 $0xF  }
0x3d: {  	p2 =	sgt.s32 @!p1 s12, $0x3;
	s0 =	sadd.s32 @!p1 $0xFFFFF5F0, s0;
	s3 =	ssub.s32 @!p1 s4, s6  }
0x3e: {  	p2 =	por !p2, p1;
	s6 =	smov.u32 s12;
	s4 =	sadd.s32 @!p1 $0xFFFFFFF1, s3  }
0x3f: {  	s6 =	simm.s32 @p2 $0x3;
	p3 =	sgt.s32 @!p1 s4, $0x0;
	s4 =	sshra.s32 @!p1 s12, $0x1F  }
0x40: {  	p2 =	sgt.s32 @!p1 s0, $0x7F;
	s0 =	sshll.u32 @!p1 s0, $0x7;
	s4 =	sand.u32 @!p1 s4, s12  }
0x41: {  	s3 =	ssub.s32 @!p1 $0x10, s3;
	s0 =	ssub.s32 @!p1 $0x4000, s0;
	s4 =	ssub.s32 @!p1 s6, s4  }
0x42: {  	p2 =	por !p2, p1;
	p3 =	por !p3, p1;
	s6 =	sadd.s32 @!p1 $0xFFFFFFFD, s4  }
0x43: {  	s0 =	simm.s32 @!p2 $0x0;
	s3 =	simm.s32 @!p3 $0x0;
	p3 =	sgt.s32 @!p1 s6, $0x0  }
0x44: {  	s4 =	ssub.s32 @!p1 $0x4, s4;
	s0 =	smul.u32 @!p1 s3, s0;
	p2 =	por !p3, p1  }
0x45: {  	s3 =	sshll.u32 @!p1 s14, $0xA;
	s6 =	sshll.u32 @!p1 s12, $0x4;
	s4 =	simm.s32 @!p2 $0x0  }
0x46: {  	s3 =	sadd.s32 @!p1 s7, s3;
	s0 =	smul.u32 @!p1 s4, s0;
	s4 =	sshll.u32 @!p1 s13, $0x6  }
0x47: {  	s6 =	sand.u32 @!p1 $0x30, s6;
	s3 =	sadd.s32 @!p1 s4, s3;
	s4 =	simm.s32 @!p1 $0x80  }
0x48: {  	s0 =	sand.u32 @!p1 $0x3FFFFF80, s0;
	s3 =	sadd.s32 @!p1 s6, s3;
	s6 =	simm.s32 @!p1 $0x2000  }
0x49: {  	[tilespmem:s1], [sflag:$0x1] =	stream.strided.gather @!p1 [hbm4b:s3+s4], s0, s6, s4, $0x38;
	[tilespmem:$0x10100] =	vst v63  }
0x4a: {  	p1 =	sge.u32 s31, s5  }
.Ltmp2:
0x4b: {  	_ = 	snop;
	(pc) =	sbr.rel @p1 .LBB1_14-.Ltmp2, $1  }
0x4c: {  	_ =	sdelay $0x3  }
0x4d: {  	s0 =	ssub.s32 $0x0, s11  }
0x4e: {  	s1 =	sshra.s32 s11, $0x1F;
	p1 =	sgt.s32 s11, $0xA10;
	s3 =	smov.u32 s11  }
0x4f: {  	s28 =	sshra.s32 s10, $0x1F;
	s29 =	ssub.s32 $0x0, s9;
	s4 =	sshra.s32 s9, $0x1F  }
0x50: {  	p2 =	sgt.s32 s9, $0x3;
	s6 =	smov.u32 s9;
	s19 =	sand.u32 s0, s1  }
0x51: {  	s3 =	simm.s32 @!p1 $0xA10;
	p1 =	sgt.s32 s10, $0xF;
	s1 =	smov.u32 s10  }
0x52: {  	s21 =	sand.u32 s29, s4;
	s6 =	simm.s32 @!p2 $0x3;
	s4 =	sadd.s32 $0x1, s10  }
0x53: {  	s0 =	sadd.s32 s19, s3;
	s1 =	simm.s32 @!p1 $0xF;
	s3 =	sand.u32 s28, s10  }
0x54: {  	s0 =	sadd.s32 $0xFFFFF5F0, s0;
	s1 =	ssub.s32 s1, s3;
	s3 =	sadd.s32 s21, s6  }
0x55: {  	p1 =	sgt.s32 s0, $0x7F;
	s8 =	sadd.s32 $0xFFFFFFF1, s1;
	s0 =	sshll.u32 s0, $0x7  }
0x56: {  	s20 =	ssub.s32 $0x10, s1;
	s30 =	sadd.s32 $0xFFFFFFFD, s3;
	s1 =	ssub.s32 $0x4, s3  }
0x57: {  	s3 =	sadd.s32 $0x80, s11;
	p2 =	sgt.s32 s8, $0x0;
	s0 =	ssub.s32 $0x4000, s0  }
0x58: {  	s20 =	simm.s32 @p2 $0x0;
	s0 =	simm.s32 @p1 $0x0;
	p1 =	slt.s32 s3, $0xA90  }
0x59: {  	p2 =	sgt.s32 s30, $0x0;
	s0 =	smul.u32 s20, s0;
	s3 =	simm.s32 @!p1 $0xA90  }
0x5a: {  	s1 =	simm.s32 @p2 $0x0;
	p1 =	slt.s32 s4, $0x10;
	s22 =	ssub.s32 s3, s11  }
0x5b: {  	s4 =	simm.s32 @!p1 $0x10;
	s0 =	smul.u32 s1, s0;
	s1 =	sadd.s32 $0x1, s9  }
0x5c: {  	s23 =	ssub.s32 s4, s10;
	p1 =	slt.s32 s22, $0x1;
	p2 =	slt.s32 s1, $0x3  }
0x5d: {  	s1 =	simm.s32 @!p2 $0x3;
	p2 =	slt.s32 @!p1 s23, $0x1  }
0x5e: {  	s24 =	ssub.s32 s1, s9;
	p2 =	por p1, p2  }
0x5f: {  	p3 =	slt.s32 @!p2 s24, $0x1  }
0x60: {  	p2 =	por p2, p3  }
.Ltmp3:
0x61: {  	_ = 	snop;
	(pc) =	sbr.rel @p2 .LBB1_13-.Ltmp3, $4  }
0x62: {  	s31 =	simm.s32 $0x1;
	s0 =	sand.u32 $0x3FFFFF80, s0  }
0x63: {  	_ =	swait.ge [sflag:s31], s0  }
0x64: {  	s0 =	ssub.s32 $0x0, s0;
	[sflag:s31] =	ssyncset.done $0x0  }
0x65: {  	s25 =	sand.u32 $0x1, s15;
	[sflag:s31] =	ssyncadd.s32 s0  }
0x66: {  	s0 =	simm.s32 $0x1  }
.Ltmp4:
0x67: {  	s0 =	simm.s32 @!p0 $0x0;
	(pc) =	sbr.rel .LBB1_4-.Ltmp4, $3  }
0x68: {  	s0 =	smul.u32 $0x10200, s0;
	_ =	sdelay $0x1  }
0x69: {  	s26 =	sshll.u32 @!p1 s25, $0xE;
	s0 =	sshrl.u32 s0, $0x2  }
0x6a: {  	s28 =	simm.s32 $0x0;
	s29 =	simm.s32 $0x0;
	s27 =	sor.u32 $0x8000, s0  }
.LBB1_12:
0x6b: {  	s29 =	sadd.s32 $0x1, s29  }
0x6c: {  	p1 =	sne.s32 s29, s22  }
.Ltmp5:
0x6d: {  	_ = 	snop;
	(pc) =	sbr.rel @!p1 .LBB1_13-.Ltmp5, $2  }
0x6e: {  	_ =	sdelay $0x2  }
0x6f: {  	s28 =	sadd.s32 $0x1, s28  }
.LBB1_4:
0x70: {  	s0 =	sand.u32 $0x7F, s28  }
0x71: {  	s31 =	simm.s32 $0x0;
	s30 =	sadd.s32 s0, s27;
	s0 =	simm.s32 $0x0  }
.LBB1_5:
0x72: {  	s1 =	sadd.s32 s29, s0  }
0x73: {  	s1 =	sshll.u32 s1, $0x9  }
0x74: {  	s1 =	sshra.s32 s1, $0x2  }
0x75: {  	s1 =	sadd.s32 s1, s26  }
0x76: {  	v0 =	vmov s1;
	_ =	sdelay $0x2  }
0x77: {  	s6 =	simm.s32 $0x0  }
0x78: {  	p2 =	sne.s32 s24, $0x1;
	s4 =	sand.u32 $0x180, s6  }
.Ltmp6:
0x79: {  	s3 =	sand.u32 $0x7, s31;
	v7 =	vld.idx.msk [tilespmem:v0+s4+$0x50 ss:$0x1], $0xffff;
	(pc) =	sbr.rel @!p2 .LBB1_6-.Ltmp6, $4  }
0x7a: {  	s8 =	smul.u32 $0x204, s3;
	v8 =	vld.idx.msk [tilespmem:v0+s4+$0x0 ss:$0x1], $0xffff  }
0x7b: {  	v10 =	vld.idx.msk [tilespmem:v0+s4+$0x10 ss:$0x1], $0xffff  }
0x7c: {  	p1 =	por $0x0, $0x0;
	s1 =	sshrl.u32 s8, $0x2;
	v11 =	vld.idx.msk [tilespmem:v0+s4+$0x20 ss:$0x1], $0xffff  }
0x7d: {  	s3 =	sadd.s32 $0xFFFFFFFF, s24;
	s6 =	sadd.s32 s1, s30;
	s1 =	simm.s32 $0x80;
	v9 =	vld.idx.msk [tilespmem:v0+s4+$0x30 ss:$0x1], $0xffff  }
0x7e: {  	_ =	sdelay $0x3  }
0x7f: {  	s1 =	sand.u32 $0x180, s1;
	v1 =	vld.idx.msk [tilespmem:v0+s4+$0x40 ss:$0x1], $0xffff;
	p2 =	sne.s32 s3, $0x1  }
.Ltmp7:
0x80: {  	[tilespmem:s6+$0x2850 ss:$0x81] =	vst.msk $0xffff, v7;
	v4 =	vld.idx.msk [tilespmem:v0+s1+$0x50 ss:$0x1], $0xffff;
	(pc) =	sbr.rel @!p2 .LBB1_8-.Ltmp7, $4  }
0x81: {  	v2 =	vld.idx.msk [tilespmem:v0+s1+$0x0 ss:$0x1], $0xffff;
	[tilespmem:s6+$0x0 ss:$0x81] =	vst.msk $0xffff, v8  }
0x82: {  	v3 =	vld.idx.msk [tilespmem:v0+s1+$0x10 ss:$0x1], $0xffff;
	[tilespmem:s6+$0x810 ss:$0x81] =	vst.msk $0xffff, v10  }
0x83: {  	s4 =	sadd.s32 $0xFFFFFFFF, s3;
	v5 =	vld.idx.msk [tilespmem:v0+s1+$0x20 ss:$0x1], $0xffff;
	[tilespmem:s6+$0x1020 ss:$0x81] =	vst.msk $0xffff, v11  }
0x84: {  	s3 =	simm.s32 $0x100;
	s8 =	sadd.s32 $0x81, s6;
	p1 =	por $0x1, $0x1;
	v6 =	vld.idx.msk [tilespmem:v0+s1+$0x30 ss:$0x1], $0xffff;
	[tilespmem:s6+$0x1830 ss:$0x81] =	vst.msk $0xffff, v9  }
.LBB1_9:
0x85: {  	p2 =	sne.s32 s4, $0x1;
	s4 =	sadd.s32 $0xFFFFFFFF, s4;
	[tilespmem:s6+$0x2040 ss:$0x81] =	vst.msk $0xffff, v1;
	v1 =	vld.idx.msk [tilespmem:v0+s1+$0x40 ss:$0x1], $0xffff;
	s1 =	sand.u32 $0x180, s3  }
.Ltmp8:
0x86: {  	s6 =	smov.u32 s8;
	[tilespmem:s8+$0x2850 ss:$0x81] =	vst.msk $0xffff, v4;
	v4 =	vld.idx.msk [tilespmem:v0+s1+$0x50 ss:$0x1], $0xffff;
	(pc) =	sbr.rel @p2 .LBB1_9-.Ltmp8, $4  }
0x87: {  	[tilespmem:s8+$0x0 ss:$0x81] =	vst.msk $0xffff, v2;
	v2 =	vld.idx.msk [tilespmem:v0+s1+$0x0 ss:$0x1], $0xffff  }
0x88: {  	[tilespmem:s8+$0x810 ss:$0x81] =	vst.msk $0xffff, v3;
	v3 =	vld.idx.msk [tilespmem:v0+s1+$0x10 ss:$0x1], $0xffff  }
0x89: {  	[tilespmem:s8+$0x1020 ss:$0x81] =	vst.msk $0xffff, v5;
	v5 =	vld.idx.msk [tilespmem:v0+s1+$0x20 ss:$0x1], $0xffff  }
0x8a: {  	s3 =	sadd.s32 $0x80, s3;
	s8 =	sadd.s32 $0x81, s8;
	[tilespmem:s6+$0x1830 ss:$0x81] =	vst.msk $0xffff, v6;
	v6 =	vld.idx.msk [tilespmem:v0+s1+$0x30 ss:$0x1], $0xffff  }
0x8b: {  	_ =	sdelay $0x3  }
0x8c: {  	s3 =	smov.u32 s6;
	s4 =	smov.u32 s1;
	v7 =	vmovc v4;
	s6 =	smov.u32 s8;
	v8 =	vmovc v2;
	v10 =	vmov v3;
	v11 =	vmov v5;
	v9 =	vmov v6  }
.LBB1_11:
0x8d: {  	_ =	sdelay $0x2  }
0x8e: {  	[tilespmem:s3+$0x2040 ss:$0x81] =	vst.msk @p1 $0xffff, v1;
	s0 =	sadd.s32 $0x1, s0  }
0x8f: {  	v0 =	vld.idx.msk [tilespmem:v0+s4+$0x40 ss:$0x1], $0xffff;
	[tilespmem:s6+$0x2850 ss:$0x81] =	vst.msk $0xffff, v7;
	p1 =	sne.s32 s0, s23  }
.Ltmp9:
0x90: {  	[tilespmem:s6+$0x0 ss:$0x81] =	vst.msk $0xffff, v8;
	(pc) =	sbr.rel @p1 .LBB1_5-.Ltmp9, $4  }
.Ltmp10:
0x91: {  	[tilespmem:s6+$0x810 ss:$0x81] =	vst.msk $0xffff, v10;
	(pc) =	sbr.rel @!p1 .LBB1_12-.Ltmp10, $4  }
0x92: {  	[tilespmem:s6+$0x1020 ss:$0x81] =	vst.msk $0xffff, v11  }
0x93: {  	[tilespmem:s6+$0x1830 ss:$0x81] =	vst.msk $0xffff, v9  }
0x94: {  	s31 =	sadd.s32 $0x1, s31;
	[tilespmem:s6+$0x2040 ss:$0x81] =	vst.msk $0xffff, v0  }
0x95: {  	_ = 	snop  }
.LBB1_6:
.Ltmp11:
0x96: {  	(pc) =	sbr.rel .LBB1_11-.Ltmp11, $2  }
0x97: {  	_ =	sdelay $0x2  }
0x98: {  	_ = 	snop  }
.LBB1_8:
.Ltmp12:
0x99: {  	_ = 	snop;
	(pc) =	sbr.rel .LBB1_11-.Ltmp12, $2  }
0x9a: {  	_ =	sdelay $0x2  }
0x9b: {  	s3 =	smov.u32 s6;
	s4 =	smov.u32 s1;
	v7 =	vmovc v4;
	s6 =	smov.u32 s8;
	v8 =	vmovc v2;
	v10 =	vmov v3;
	v11 =	vmov v5;
	v9 =	vmov v6  }
.LBB1_15:
0x9c: {  	_ =	sfence.sel $0x180000  }
0x9d: {  	s0 =	simm.s32 $0x1;
	[bflag:$0x0] =	sbarrier.arrive $0xFFFF  }
0x9e: {  	s31 =	simm.s32 $0x2;
	[sflag:s0] =	ssyncpa.u1 $0x1  }
0x9f: {  	[sflag:s31] =	ssyncpa.u1 $0x1  }
0xa0: {  	_ =	strace $0x90000047  }
0xa1: {  	[bflag:$0x2] =	sbarrier.arrive $0xFFFF  }
0xa2: {  	p0 =	sne.s32 s8, $0x0;
	s0 =	rddreg [dreg:$0x1]  }
0xa3: {  	s0 =	sadd.s32 @!p0 $0x100000, s0  }
0xa4: {  	[sflag:s0] =	ssyncadd.tile.s32 @!p0 $0x1;
	_ =	shalt  }
.Lfunc_end1:
_tile_overlayer_lowered:
.L_overlay_start_2:
0xa5: {  	(tag) =	ssettag $0x2  }
0xa6: {  	s0 =	rddreg [dreg:$0x0];
	s2 =	stileid.u32  }
0xa7: {  	s1 =	rddreg [dreg:$0x1];
	p0 =	sne.s32 s2, $0x0  }
0xa8: {  	s3 =	rddreg [dreg:$0x2];
	[bflag:$0x3] =	sbarrier.arrive $0xFFFF;
	s2 =	simm.s32 @!p0 $0x1C01  }
0xa9: {  	[timem:s3], [sflag:s2] =	dma.local @!p0 [hbm:s0], s1  }
0xaa: {  	s0 =	simm.s32 @!p0 $0x1  }
0xab: {  	_ =	swait.ge @!p0 [sflag:s0], s1  }
0xac: {  	s1 =	ssub.s32 @!p0 $0x0, s1;
	[sflag:s0] =	ssyncset.done @!p0 $0x0  }
0xad: {  	[sflag:s0] =	ssyncadd.s32 @!p0 s1  }
0xae: {  	[bflag:$0x3] =	sbarrier.arrive $0xFFFF  }
0xaf: {  	_ =	shalt  }

</sc_bundles>
